<compile_context>
chip_gen: v7x
topology: tpu7x:2x2x1
jax: 0.10.2.dev20260603
libtpu: 0.0.44.dev20260713+nightly
codegen_flags: <defaults>
</compile_context>

<pallas_src>
import jax
import jax.numpy as jnp
import numpy as np
from jax.experimental import pallas as pl
from jax.experimental.pallas import tpu as pltpu

_N = 5000
_C = 4
_BK = 128
_NPAD = 5120
_NB = _NPAD // _BK
_SCORE_THRESHOLD = 0.01
_NMS_THRESHOLD = 0.5
_MAX_DETECTIONS = 100


def _nms_blocked_kernel(x1r, y1r, x2r, y2r, vr,
                        x1c, y1c, x2c, y2c,
                        kept_out, m_ref, sup_ref):
    f32 = jnp.float32
    lane = jax.lax.broadcasted_iota(jnp.int32, (1, _BK), 1)
    subl = jax.lax.broadcasted_iota(jnp.int32, (_BK, 1), 0)
    pos = jax.lax.broadcasted_iota(jnp.int32, (1, _NPAD), 1)

    sup_ref[...] = jnp.zeros((1, _NPAD), f32)

    def jbody(j, _):
        off = j * _BK
        b_x1r = x1r[0, :, pl.ds(off, _BK)]
        b_y1r = y1r[0, :, pl.ds(off, _BK)]
        b_x2r = x2r[0, :, pl.ds(off, _BK)]
        b_y2r = y2r[0, :, pl.ds(off, _BK)]
        b_val = vr[0, :, pl.ds(off, _BK)]
        b_x1c = x1c[0, pl.ds(off, _BK), :]
        b_y1c = y1c[0, pl.ds(off, _BK), :]
        b_x2c = x2c[0, pl.ds(off, _BK), :]
        b_y2c = y2c[0, pl.ds(off, _BK), :]

        areas_br = (b_x2r - b_x1r) * (b_y2r - b_y1r)
        areas_bc = (b_x2c - b_x1c) * (b_y2c - b_y1c)

        xx1 = jnp.maximum(b_x1c, b_x1r)
        yy1 = jnp.maximum(b_y1c, b_y1r)
        xx2 = jnp.minimum(b_x2c, b_x2r)
        yy2 = jnp.minimum(b_y2c, b_y2r)
        w = jnp.maximum(0.0, xx2 - xx1)
        h = jnp.maximum(0.0, yy2 - yy1)
        inter = w * h
        iou = inter / (areas_bc + areas_br - inter)
        tri = (lane > subl).astype(f32)
        m_ref[...] = (iou > _NMS_THRESHOLD).astype(f32) * tri

        supb0 = jnp.maximum(sup_ref[:, pl.ds(off, _BK)], 1.0 - b_val)

        def ibody(i, st):
            supb, keptc = st
            is_i = lane == i
            sup_i = jnp.max(jnp.where(is_i, supb, 0.0))
            take = 1.0 - sup_i
            keptc = jnp.where(subl == i, take, keptc)
            mrow = m_ref[pl.ds(i, 1), :]
            supb = jnp.maximum(supb, take * mrow)
            return supb, keptc

        supb, keptc = jax.lax.fori_loop(
            0, _BK, ibody,
            (supb0, jnp.zeros((_BK, 1), f32)))

        kept_out[0, :, pl.ds(off, _BK)] = b_val * (1.0 - supb)

        x1 = x1r[0]
        y1 = y1r[0]
        x2 = x2r[0]
        y2 = y2r[0]
        areas_all = (x2 - x1) * (y2 - y1)
        cx1 = jnp.maximum(b_x1c, x1)
        cy1 = jnp.maximum(b_y1c, y1)
        cx2 = jnp.minimum(b_x2c, x2)
        cy2 = jnp.minimum(b_y2c, y2)
        cw = jnp.maximum(0.0, cx2 - cx1)
        ch = jnp.maximum(0.0, cy2 - cy1)
        cinter = cw * ch
        ciou = cinter / (areas_bc + areas_all - cinter)
        hits = keptc * (ciou > _NMS_THRESHOLD).astype(f32)
        contrib = jnp.max(hits, axis=0, keepdims=True)
        gate = (pos >= off + _BK).astype(f32)
        sup_ref[...] = jnp.maximum(sup_ref[...], contrib * gate)
        return 0

    jax.lax.fori_loop(0, _NB, jbody, 0)


def _run_nms(sboxes, valid):
    x1 = sboxes[..., 0]
    y1 = sboxes[..., 1]
    x2 = sboxes[..., 2]
    y2 = sboxes[..., 3]
    row_spec = pl.BlockSpec((1, 1, _NPAD), lambda c: (c, 0, 0))
    col_spec = pl.BlockSpec((1, _NPAD, 1), lambda c: (c, 0, 0))
    kept = pl.pallas_call(
        _nms_blocked_kernel,
        grid=(_C,),
        in_specs=[row_spec, row_spec, row_spec, row_spec, row_spec,
                  col_spec, col_spec, col_spec, col_spec],
        out_specs=row_spec,
        out_shape=jax.ShapeDtypeStruct((_C, 1, _NPAD), jnp.float32),
        scratch_shapes=[pltpu.VMEM((_BK, _BK), jnp.float32),
                        pltpu.VMEM((1, _NPAD), jnp.float32)],
    )(x1[:, None], y1[:, None], x2[:, None], y2[:, None], valid[:, None],
      x1[..., None], y1[..., None], x2[..., None], y2[..., None])
    return kept[:, 0]


def kernel(boxes, classification, rotation, translation):
    lab_dtype = jnp.asarray(np.int64(0)).dtype
    b = boxes[0]
    cls = classification[0]
    rot = rotation[0]
    tra = translation[0]

    scT = cls.T
    order = jnp.argsort(-scT, axis=-1, stable=True)
    ssc = jnp.take_along_axis(scT, order, axis=-1)
    sboxes = b[order]
    valid = (ssc > _SCORE_THRESHOLD).astype(jnp.float32)

    pad = _NPAD - _N
    sboxes_p = jnp.pad(sboxes, ((0, 0), (0, pad), (0, 0)))
    valid_p = jnp.pad(valid, ((0, 0), (0, pad)))

    kept_f = _run_nms(sboxes_p, valid_p)
    kept = kept_f[:, :_N] > 0.5

    neg_inf = jnp.asarray(-jnp.inf, ssc.dtype)
    keys = jnp.where(kept, ssc, neg_inf).reshape(-1)
    idxs = order.reshape(-1)
    labs = jnp.repeat(jnp.arange(_C, dtype=lab_dtype), _N)

    gorder = jnp.argsort(-keys, stable=True)
    top = gorder[:_MAX_DETECTIONS]
    n_valid = jnp.sum(kept)
    slot = jnp.arange(_MAX_DETECTIONS)
    ok = slot < n_valid
    sel_idx = jnp.where(ok, idxs[top], 0)
    sel_lab = jnp.where(ok, labs[top], 0)

    out_b = jnp.where(ok[:, None], b[sel_idx], jnp.asarray(-1.0, b.dtype))
    out_s = jnp.where(ok, cls[sel_idx, sel_lab],
                      jnp.asarray(-1.0, cls.dtype))
    out_l = jnp.where(ok, sel_lab, jnp.asarray(-1, lab_dtype))
    out_r = jnp.where(ok[:, None], rot[sel_idx],
                      jnp.asarray(-1.0, rot.dtype))
    out_t = jnp.where(ok[:, None], tra[sel_idx],
                      jnp.asarray(-1.0, tra.dtype))
    return (out_b[None], out_s[None], out_l[None],
            out_r[None], out_t[None])

# --- scband reference (transcript-rebuilt; emitter-appended) ---
"""Pipeline reference for scband-filter-detections-90348932038752 (READ-ONLY COPY).

The authoritative reference and input builder live on the scoring server;
editing this copy changes nothing except your own understanding.
"""

import jax, jax.numpy as jnp
import numpy as np

B, N, C = 1, 5000, 4
NUM_ROT = 3
NUM_TRANS = 3
SCORE_THRESHOLD = 0.01
NMS_THRESHOLD = 0.5
MAX_DETECTIONS = 100


def setup_inputs(seed: int = 0) -> dict:
    key = jax.random.key(seed)
    k1, k2, k3, k4, k5 = jax.random.split(key, 5)
    xy = jax.random.uniform(k1, (B, N, 2), minval=0.0, maxval=512.0)
    wh = jax.random.uniform(k2, (B, N, 2), minval=20.0, maxval=120.0)
    boxes = jnp.concatenate([xy, xy + wh], axis=-1)  # valid (x1,y1,x2,y2)
    classification = jax.random.uniform(k3, (B, N, C))
    rotation = jax.random.normal(k4, (B, N, NUM_ROT))
    translation = jax.random.normal(k5, (B, N, NUM_TRANS))
    return {"boxes": boxes, "classification": classification, "rotation": rotation, "translation": translation}


def _nms_np(boxes, scores, thresh):
    # torchvision-style hard NMS: suppress boxes with IoU > thresh vs a kept higher-scoring box
    x1 = boxes[:, 0]; y1 = boxes[:, 1]; x2 = boxes[:, 2]; y2 = boxes[:, 3]
    areas = (x2 - x1) * (y2 - y1)
    order = np.argsort(-scores, kind="stable")
    keep = []
    while order.size > 0:
        i = order[0]
        keep.append(i)
        if order.size == 1:
            break
        rest = order[1:]
        xx1 = np.maximum(x1[i], x1[rest]); yy1 = np.maximum(y1[i], y1[rest])
        xx2 = np.minimum(x2[i], x2[rest]); yy2 = np.minimum(y2[i], y2[rest])
        w = np.maximum(0.0, xx2 - xx1); h = np.maximum(0.0, yy2 - yy1)
        inter = w * h
        iou = inter / (areas[i] + areas[rest] - inter)
        order = rest[iou <= thresh]
    return np.asarray(keep, dtype=np.int64)


def _select_indices(boxes_np, cls_np):
    # class-specific filter: threshold + NMS per class, concat, sort by score desc, keep top max_detections
    all_idx = []
    all_lab = []
    for c in range(cls_np.shape[1]):
        scores = cls_np[:, c]
        idx = np.where(scores > SCORE_THRESHOLD)[0]
        if idx.size > 0:
            k = _nms_np(boxes_np[idx], scores[idx], NMS_THRESHOLD)
            idx = idx[k]
        if idx.size > 0:
            all_idx.append(idx)
            all_lab.append(np.full(idx.shape, c, dtype=np.int64))
    if all_idx:
        idx = np.concatenate(all_idx)
        lab = np.concatenate(all_lab)
    else:
        idx = np.zeros((0,), np.int64)
        lab = np.zeros((0,), np.int64)
    if idx.size > 0:
        sc = cls_np[idx, lab]
        order = np.argsort(-sc, kind="stable")
        idx = idx[order][:MAX_DETECTIONS]
        lab = lab[order][:MAX_DETECTIONS]
    return idx, lab


def _nms_keep(sboxes, svalid):
    n = sboxes.shape[0]
    x1 = sboxes[:, 0]; y1 = sboxes[:, 1]; x2 = sboxes[:, 2]; y2 = sboxes[:, 3]
    areas = (x2 - x1) * (y2 - y1)
    pos = jnp.arange(n)

    def body(i, st):
        suppressed, kept = st
        take = svalid[i] & jnp.logical_not(suppressed[i])
        kept = kept.at[i].set(take)
        xx1 = jnp.maximum(x1[i], x1); yy1 = jnp.maximum(y1[i], y1)
        xx2 = jnp.minimum(x2[i], x2); yy2 = jnp.minimum(y2[i], y2)
        w = jnp.maximum(0.0, xx2 - xx1); h = jnp.maximum(0.0, yy2 - yy1)
        inter = w * h
        iou = inter / (areas[i] + areas - inter)
        suppressed = suppressed | (take & (iou > NMS_THRESHOLD) & (pos > i))
        return suppressed, kept

    suppressed0 = jnp.zeros((n,), dtype=bool)
    kept0 = jnp.zeros((n,), dtype=bool)
    _, kept = jax.lax.fori_loop(0, n, body, (suppressed0, kept0))
    return kept


def reference(boxes, classification, rotation, translation):
    lab_dtype = jnp.asarray(np.int64(0)).dtype
    rb, rs, rl, rr, rt = [], [], [], [], []
    for i in range(boxes.shape[0]):
        b_i = boxes[i]
        c_i = classification[i]
        n = b_i.shape[0]
        keys, idxs, labs, kepts = [], [], [], []
        for c in range(c_i.shape[1]):
            scores = c_i[:, c]
            order = jnp.argsort(-scores, stable=True)
            sboxes = b_i[order]
            svalid = scores[order] > SCORE_THRESHOLD
            kept = _nms_keep(sboxes, svalid)
            keys.append(jnp.where(kept, scores[order], -jnp.inf))
            idxs.append(order)
            labs.append(jnp.full((n,), c, dtype=lab_dtype))
            kepts.append(kept)
        keys = jnp.concatenate(keys)
        idxs = jnp.concatenate(idxs)
        labs = jnp.concatenate(labs)
        kepts = jnp.concatenate(kepts)
        gorder = jnp.argsort(-keys, stable=True)
        top = gorder[:MAX_DETECTIONS]
        n_valid = jnp.sum(kepts)
        slot = jnp.arange(MAX_DETECTIONS)
        ok = slot < n_valid
        sel_idx = jnp.where(ok, idxs[top], 0)
        sel_lab = jnp.where(ok, labs[top], 0)
        b = jnp.where(ok[:, None], boxes[i][sel_idx], jnp.asarray(-1.0, boxes.dtype))
        s = jnp.where(ok, classification[i][sel_idx, sel_lab], jnp.asarray(-1.0, classification.dtype))
        l = jnp.where(ok, sel_lab, jnp.asarray(-1, lab_dtype))
        r = jnp.where(ok[:, None], rotation[i][sel_idx], jnp.asarray(-1.0, rotation.dtype))
        t = jnp.where(ok[:, None], translation[i][sel_idx], jnp.asarray(-1.0, translation.dtype))
        rb.append(b); rs.append(s); rl.append(l); rr.append(r); rt.append(t)
    return (jnp.stack(rb, 0), jnp.stack(rs, 0), jnp.stack(rl, 0), jnp.stack(rr, 0), jnp.stack(rt, 0))

if __name__ == "__main__":
    import jax
    _d = setup_inputs()
    print(jax.jit(kernel)(*tuple(_d.values())))

</pallas_src>

<mosaic_0001>
module attributes {stable_mosaic.version = 14 : i64} {
  func.func @_nms_blocked_kernel(%arg0: i32, %arg1: memref<1x1x5120xf32, #tpu.memory_space<vmem>>, %arg2: memref<1x1x5120xf32, #tpu.memory_space<vmem>>, %arg3: memref<1x1x5120xf32, #tpu.memory_space<vmem>>, %arg4: memref<1x1x5120xf32, #tpu.memory_space<vmem>>, %arg5: memref<1x1x5120xf32, #tpu.memory_space<vmem>>, %arg6: memref<1x5120x1xf32, #tpu.memory_space<vmem>>, %arg7: memref<1x5120x1xf32, #tpu.memory_space<vmem>>, %arg8: memref<1x5120x1xf32, #tpu.memory_space<vmem>>, %arg9: memref<1x5120x1xf32, #tpu.memory_space<vmem>>, %arg10: memref<1x1x5120xf32, #tpu.memory_space<vmem>>, %arg11: memref<128x128xf32, #tpu.memory_space<vmem>>, %arg12: memref<1x5120xf32, #tpu.memory_space<vmem>>) attributes {dimension_semantics = [#tpu.dimension_semantics<arbitrary>], iteration_bounds = array<i64: 4>, scalar_prefetch = 0 : i64, scratch_operands = 2 : i64, tpu.core_type = #tpu.core_type<tc>, window_params = [{transform_indices = @transform_0, window_bounds = array<i64: 1, 1, 5120>}, {transform_indices = @transform_1, window_bounds = array<i64: 1, 1, 5120>}, {transform_indices = @transform_2, window_bounds = array<i64: 1, 1, 5120>}, {transform_indices = @transform_3, window_bounds = array<i64: 1, 1, 5120>}, {transform_indices = @transform_4, window_bounds = array<i64: 1, 1, 5120>}, {transform_indices = @transform_5, window_bounds = array<i64: 1, 5120, 1>}, {transform_indices = @transform_6, window_bounds = array<i64: 1, 5120, 1>}, {transform_indices = @transform_7, window_bounds = array<i64: 1, 5120, 1>}, {transform_indices = @transform_8, window_bounds = array<i64: 1, 5120, 1>}, {transform_indices = @transform_9, window_bounds = array<i64: 1, 1, 5120>}]} {
    %iota3A = tpu.iota {dimensions = array<i32: 1>} : vector<1x128xi32>
    %iota3A_0 = tpu.iota {dimensions = array<i32: 0>} : vector<128x1xi32>
    %iota3A_1 = tpu.iota {dimensions = array<i32: 1>} : vector<1x5120xi32>
    %broadcast_in_dim3A = arith.constant 0.000000e+00 : f32
    %broadcast_in_dim3A_2 = vector.broadcast %broadcast_in_dim3A : f32 to vector<1x5120xf32>
    %swap3A = arith.constant 0 : index
    %swap3A_3 = arith.constant 0 : index
    %swap3A_4 = vector.load %arg12[%swap3A, %swap3A_3] : memref<1x5120xf32, #tpu.memory_space<vmem>>, vector<1x5120xf32>
    tpu.vector_store %arg12[%swap3A, %swap3A_3], %broadcast_in_dim3A_2 {strides = array<i32>} : memref<1x5120xf32, #tpu.memory_space<vmem>>, vector<1x5120xf32>,
    %scan3A = arith.constant 0 : i32
    %scan3A_5 = arith.constant 40 : i32
    %scan3A_6 = arith.addi %scan3A, %scan3A_5 : i32
    %scan3A_7 = arith.constant 1 : i32
    scf.for %scan3A_9 = %scan3A to %scan3A_6 step %scan3A_7  : i32 {
      %mul3A = arith.constant 128 : i32
      %mul3A_10 = arith.muli %scan3A_9, %mul3A : i32
      %get3A = arith.constant 0 : index
      %get3A_11 = arith.constant 0 : index
      %get3A_12 = arith.index_cast %mul3A_10 : i32 to index
      %get3A_13 = vector.load %arg1[%get3A, %get3A_11, %get3A_12] : memref<1x1x5120xf32, #tpu.memory_space<vmem>>, vector<1x1x128xf32>
      %get3A_14 = vector.shape_cast %get3A_13 : vector<1x1x128xf32> to vector<1x128xf32>
      %get3A_15 = arith.constant 0 : index
      %get3A_16 = arith.constant 0 : index
      %get3A_17 = arith.index_cast %mul3A_10 : i32 to index
      %get3A_18 = vector.load %arg2[%get3A_15, %get3A_16, %get3A_17] : memref<1x1x5120xf32, #tpu.memory_space<vmem>>, vector<1x1x128xf32>
      %get3A_19 = vector.shape_cast %get3A_18 : vector<1x1x128xf32> to vector<1x128xf32>
      %get3A_20 = arith.constant 0 : index
      %get3A_21 = arith.constant 0 : index
      %get3A_22 = arith.index_cast %mul3A_10 : i32 to index
      %get3A_23 = vector.load %arg3[%get3A_20, %get3A_21, %get3A_22] : memref<1x1x5120xf32, #tpu.memory_space<vmem>>, vector<1x1x128xf32>
      %get3A_24 = vector.shape_cast %get3A_23 : vector<1x1x128xf32> to vector<1x128xf32>
      %get3A_25 = arith.constant 0 : index
      %get3A_26 = arith.constant 0 : index
      %get3A_27 = arith.index_cast %mul3A_10 : i32 to index
      %get3A_28 = vector.load %arg4[%get3A_25, %get3A_26, %get3A_27] : memref<1x1x5120xf32, #tpu.memory_space<vmem>>, vector<1x1x128xf32>
      %get3A_29 = vector.shape_cast %get3A_28 : vector<1x1x128xf32> to vector<1x128xf32>
      %get3A_30 = arith.constant 0 : index
      %get3A_31 = arith.constant 0 : index
      %get3A_32 = arith.index_cast %mul3A_10 : i32 to index
      %get3A_33 = vector.load %arg5[%get3A_30, %get3A_31, %get3A_32] : memref<1x1x5120xf32, #tpu.memory_space<vmem>>, vector<1x1x128xf32>
      %get3A_34 = vector.shape_cast %get3A_33 : vector<1x1x128xf32> to vector<1x128xf32>
      %get3A_35 = arith.constant 0 : index
      %get3A_36 = arith.index_cast %mul3A_10 : i32 to index
      %get3A_37 = arith.constant 0 : index
      %get3A_38 = vector.load %arg6[%get3A_35, %get3A_36, %get3A_37] : memref<1x5120x1xf32, #tpu.memory_space<vmem>>, vector<1x128x1xf32>
      %get3A_39 = vector.shape_cast %get3A_38 : vector<1x128x1xf32> to vector<128x1xf32>
      %get3A_40 = arith.constant 0 : index
      %get3A_41 = arith.index_cast %mul3A_10 : i32 to index
      %get3A_42 = arith.constant 0 : index
      %get3A_43 = vector.load %arg7[%get3A_40, %get3A_41, %get3A_42] : memref<1x5120x1xf32, #tpu.memory_space<vmem>>, vector<1x128x1xf32>
      %get3A_44 = vector.shape_cast %get3A_43 : vector<1x128x1xf32> to vector<128x1xf32>
      %get3A_45 = arith.constant 0 : index
      %get3A_46 = arith.index_cast %mul3A_10 : i32 to index
      %get3A_47 = arith.constant 0 : index
      %get3A_48 = vector.load %arg8[%get3A_45, %get3A_46, %get3A_47] : memref<1x5120x1xf32, #tpu.memory_space<vmem>>, vector<1x128x1xf32>
      %get3A_49 = vector.shape_cast %get3A_48 : vector<1x128x1xf32> to vector<128x1xf32>
      %get3A_50 = arith.constant 0 : index
      %get3A_51 = arith.index_cast %mul3A_10 : i32 to index
      %get3A_52 = arith.constant 0 : index
      %get3A_53 = vector.load %arg9[%get3A_50, %get3A_51, %get3A_52] : memref<1x5120x1xf32, #tpu.memory_space<vmem>>, vector<1x128x1xf32>
      %get3A_54 = vector.shape_cast %get3A_53 : vector<1x128x1xf32> to vector<128x1xf32>
      %sub3A = arith.subf %get3A_24, %get3A_14 : vector<1x128xf32>
      %sub3A_55 = arith.subf %get3A_29, %get3A_19 : vector<1x128xf32>
      %mul3A_56 = arith.mulf %sub3A, %sub3A_55 : vector<1x128xf32>
      %sub3A_57 = arith.subf %get3A_49, %get3A_39 : vector<128x1xf32>
      %sub3A_58 = arith.subf %get3A_54, %get3A_44 : vector<128x1xf32>
      %mul3A_59 = arith.mulf %sub3A_57, %sub3A_58 : vector<128x1xf32>
      %max3A = vector.broadcast %get3A_39 : vector<128x1xf32> to vector<128x128xf32>
      %max3A_60 = vector.broadcast %get3A_14 : vector<1x128xf32> to vector<128x128xf32>
      %max3A_61 = arith.maximumf %max3A, %max3A_60 : vector<128x128xf32>
      %max3A_62 = vector.broadcast %get3A_44 : vector<128x1xf32> to vector<128x128xf32>
      %max3A_63 = vector.broadcast %get3A_19 : vector<1x128xf32> to vector<128x128xf32>
      %max3A_64 = arith.maximumf %max3A_62, %max3A_63 : vector<128x128xf32>
      %min3A = vector.broadcast %get3A_49 : vector<128x1xf32> to vector<128x128xf32>
      %min3A_65 = vector.broadcast %get3A_24 : vector<1x128xf32> to vector<128x128xf32>
      %min3A_66 = arith.minimumf %min3A, %min3A_65 : vector<128x128xf32>
      %min3A_67 = vector.broadcast %get3A_54 : vector<128x1xf32> to vector<128x128xf32>
      %min3A_68 = vector.broadcast %get3A_29 : vector<1x128xf32> to vector<128x128xf32>
      %min3A_69 = arith.minimumf %min3A_67, %min3A_68 : vector<128x128xf32>
      %sub3A_70 = arith.subf %min3A_66, %max3A_61 : vector<128x128xf32>
      %max3A_71 = arith.constant 0.000000e+00 : f32
      %max3A_72 = vector.broadcast %max3A_71 : f32 to vector<128x128xf32>
      %max3A_73 = arith.maximumf %max3A_72, %sub3A_70 : vector<128x128xf32>
      %sub3A_74 = arith.subf %min3A_69, %max3A_64 : vector<128x128xf32>
      %max3A_75 = arith.constant 0.000000e+00 : f32
      %max3A_76 = vector.broadcast %max3A_75 : f32 to vector<128x128xf32>
      %max3A_77 = arith.maximumf %max3A_76, %sub3A_74 : vector<128x128xf32>
      %mul3A_78 = arith.mulf %max3A_73, %max3A_77 : vector<128x128xf32>
      %add3A = vector.broadcast %mul3A_59 : vector<128x1xf32> to vector<128x128xf32>
      %add3A_79 = vector.broadcast %mul3A_56 : vector<1x128xf32> to vector<128x128xf32>
      %add3A_80 = arith.addf %add3A, %add3A_79 : vector<128x128xf32>
      %sub3A_81 = arith.subf %add3A_80, %mul3A_78 : vector<128x128xf32>
      %div3A = arith.divf %mul3A_78, %sub3A_81 : vector<128x128xf32>
      %gt3A = vector.broadcast %iota3A : vector<1x128xi32> to vector<128x128xi32>
      %gt3A_82 = vector.broadcast %iota3A_0 : vector<128x1xi32> to vector<128x128xi32>
      %gt3A_83 = arith.cmpi sgt, %gt3A, %gt3A_82 : vector<128x128xi32>
      %convert_element_type3A = arith.extui %gt3A_83 : vector<128x128xi1> to vector<128x128xi32>
      %convert_element_type3A_84 = arith.sitofp %convert_element_type3A : vector<128x128xi32> to vector<128x128xf32>
      %gt3A_85 = arith.constant 5.000000e-01 : f32
      %gt3A_86 = vector.broadcast %gt3A_85 : f32 to vector<128x128xf32>
      %gt3A_87 = arith.cmpf ogt, %div3A, %gt3A_86 : vector<128x128xf32>
      %convert_element_type3A_88 = arith.extui %gt3A_87 : vector<128x128xi1> to vector<128x128xi32>
      %convert_element_type3A_89 = arith.sitofp %convert_element_type3A_88 : vector<128x128xi32> to vector<128x128xf32>
      %mul3A_90 = arith.mulf %convert_element_type3A_89, %convert_element_type3A_84 : vector<128x128xf32>
      %swap3A_91 = arith.constant 0 : index
      %swap3A_92 = arith.constant 0 : index
      %swap3A_93 = vector.load %arg11[%swap3A_91, %swap3A_92] : memref<128x128xf32, #tpu.memory_space<vmem>>, vector<128x128xf32>
      tpu.vector_store %arg11[%swap3A_91, %swap3A_92], %mul3A_90 {strides = array<i32>} : memref<128x128xf32, #tpu.memory_space<vmem>>, vector<128x128xf32>,
      %get3A_94 = arith.constant 0 : index
      %get3A_95 = arith.index_cast %mul3A_10 : i32 to index
      %get3A_96 = vector.load %arg12[%get3A_94, %get3A_95] : memref<1x5120xf32, #tpu.memory_space<vmem>>, vector<1x128xf32>
      %sub3A_97 = arith.constant 1.000000e+00 : f32
      %sub3A_98 = vector.broadcast %sub3A_97 : f32 to vector<1x128xf32>
      %sub3A_99 = arith.subf %sub3A_98, %get3A_34 : vector<1x128xf32>
      %max3A_100 = arith.maximumf %get3A_96, %sub3A_99 : vector<1x128xf32>
      %broadcast_in_dim3A_101 = arith.constant 0.000000e+00 : f32
      %broadcast_in_dim3A_102 = vector.broadcast %broadcast_in_dim3A_101 : f32 to vector<128x1xf32>
      %scan3A_103 = arith.constant 0 : i32
      %scan3A_104 = arith.constant 128 : i32
      %scan3A_105 = arith.addi %scan3A_103, %scan3A_104 : i32
      %scan3A_106 = arith.constant 1 : i32
      %scan3A_107:2 = scf.for %scan3A_190 = %scan3A_103 to %scan3A_105 step %scan3A_106 iter_args(%scan3A_191 = %max3A_100, %scan3A_192 = %broadcast_in_dim3A_102) -> (vector<1x128xf32>, vector<128x1xf32>)  : i32 {
        %eq3A = vector.broadcast %scan3A_190 : i32 to vector<1x128xi32>
        %eq3A_193 = arith.cmpi eq, %iota3A, %eq3A : vector<1x128xi32>
        %jit3A = arith.constant 0.000000e+00 : f32
        %broadcast_in_dim3A_194 = vector.broadcast %jit3A : f32 to vector<1x128xf32>
        %select_n3A = arith.select %eq3A_193, %scan3A_191, %broadcast_in_dim3A_194 : vector<1x128xi1>, vector<1x128xf32>
        %reduce_max3A_195 = vector.shape_cast %select_n3A : vector<1x128xf32> to vector<1x1x128xf32>
        %reduce_max3A_196 = arith.constant dense<0xFF800000> : vector<1xf32>
        %reduce_max3A_197 = vector.multi_reduction <maximumf>, %reduce_max3A_195, %reduce_max3A_196 [1, 2] : vector<1x1x128xf32> to vector<1xf32>
        %reduce_max3A_198 = vector.shape_cast %reduce_max3A_197 : vector<1xf32> to vector<1x1x1xf32>
        %reduce_max3A_199 = vector.extract %reduce_max3A_198[0, 0, 0] : f32 from vector<1x1x1xf32>
        %sub3A_200 = arith.constant 1.000000e+00 : f32
        %sub3A_201 = arith.subf %sub3A_200, %reduce_max3A_199 : f32
        %eq3A_202 = vector.broadcast %scan3A_190 : i32 to vector<128x1xi32>
        %eq3A_203 = arith.cmpi eq, %iota3A_0, %eq3A_202 : vector<128x1xi32>
        %broadcast_in_dim3A_204 = vector.broadcast %sub3A_201 : f32 to vector<128x1xf32>
        %select_n3A_205 = arith.select %eq3A_203, %broadcast_in_dim3A_204, %scan3A_192 : vector<128x1xi1>, vector<128x1xf32>
        %get3A_206 = arith.index_cast %scan3A_190 : i32 to index
        %get3A_207 = arith.constant 0 : index
        %get3A_208 = vector.load %arg11[%get3A_206, %get3A_207] : memref<128x128xf32, #tpu.memory_space<vmem>>, vector<1x128xf32>
        %mul3A_209 = vector.broadcast %sub3A_201 : f32 to vector<1x128xf32>
        %mul3A_210 = arith.mulf %mul3A_209, %get3A_208 : vector<1x128xf32>
        %max3A_211 = arith.maximumf %scan3A_191, %mul3A_210 : vector<1x128xf32>
        scf.yield %max3A_211, %select_n3A_205 : vector<1x128xf32>, vector<128x1xf32>
      }
      %scan3A_108 = arith.constant 128 : i32
      %sub3A_109 = arith.constant 1.000000e+00 : f32
      %sub3A_110 = vector.broadcast %sub3A_109 : f32 to vector<1x128xf32>
      %sub3A_111 = arith.subf %sub3A_110, %scan3A_107#0 : vector<1x128xf32>
      %mul3A_112 = arith.mulf %get3A_34, %sub3A_111 : vector<1x128xf32>
      %swap3A_113 = arith.constant 0 : index
      %swap3A_114 = arith.constant 0 : index
      %swap3A_115 = arith.index_cast %mul3A_10 : i32 to index
      %swap3A_116 = vector.load %arg10[%swap3A_113, %swap3A_114, %swap3A_115] : memref<1x1x5120xf32, #tpu.memory_space<vmem>>, vector<1x1x128xf32>
      %swap3A_117 = vector.shape_cast %swap3A_116 : vector<1x1x128xf32> to vector<1x128xf32>
      %swap3A_118 = vector.shape_cast %mul3A_112 : vector<1x128xf32> to vector<1x1x128xf32>
      tpu.vector_store %arg10[%swap3A_113, %swap3A_114, %swap3A_115], %swap3A_118 {strides = array<i32>} : memref<1x1x5120xf32, #tpu.memory_space<vmem>>, vector<1x1x128xf32>,
      %get3A_119 = arith.constant 0 : index
      %get3A_120 = arith.constant 0 : index
      %get3A_121 = arith.constant 0 : index
      %get3A_122 = vector.load %arg1[%get3A_119, %get3A_120, %get3A_121] : memref<1x1x5120xf32, #tpu.memory_space<vmem>>, vector<1x1x5120xf32>
      %get3A_123 = vector.shape_cast %get3A_122 : vector<1x1x5120xf32> to vector<1x5120xf32>
      %get3A_124 = arith.constant 0 : index
      %get3A_125 = arith.constant 0 : index
      %get3A_126 = arith.constant 0 : index
      %get3A_127 = vector.load %arg2[%get3A_124, %get3A_125, %get3A_126] : memref<1x1x5120xf32, #tpu.memory_space<vmem>>, vector<1x1x5120xf32>
      %get3A_128 = vector.shape_cast %get3A_127 : vector<1x1x5120xf32> to vector<1x5120xf32>
      %get3A_129 = arith.constant 0 : index
      %get3A_130 = arith.constant 0 : index
      %get3A_131 = arith.constant 0 : index
      %get3A_132 = vector.load %arg3[%get3A_129, %get3A_130, %get3A_131] : memref<1x1x5120xf32, #tpu.memory_space<vmem>>, vector<1x1x5120xf32>
      %get3A_133 = vector.shape_cast %get3A_132 : vector<1x1x5120xf32> to vector<1x5120xf32>
      %get3A_134 = arith.constant 0 : index
      %get3A_135 = arith.constant 0 : index
      %get3A_136 = arith.constant 0 : index
      %get3A_137 = vector.load %arg4[%get3A_134, %get3A_135, %get3A_136] : memref<1x1x5120xf32, #tpu.memory_space<vmem>>, vector<1x1x5120xf32>
      %get3A_138 = vector.shape_cast %get3A_137 : vector<1x1x5120xf32> to vector<1x5120xf32>
      %sub3A_139 = arith.subf %get3A_133, %get3A_123 : vector<1x5120xf32>
      %sub3A_140 = arith.subf %get3A_138, %get3A_128 : vector<1x5120xf32>
      %mul3A_141 = arith.mulf %sub3A_139, %sub3A_140 : vector<1x5120xf32>
      %max3A_142 = vector.broadcast %get3A_39 : vector<128x1xf32> to vector<128x5120xf32>
      %max3A_143 = vector.broadcast %get3A_123 : vector<1x5120xf32> to vector<128x5120xf32>
      %max3A_144 = arith.maximumf %max3A_142, %max3A_143 : vector<128x5120xf32>
      %max3A_145 = vector.broadcast %get3A_44 : vector<128x1xf32> to vector<128x5120xf32>
      %max3A_146 = vector.broadcast %get3A_128 : vector<1x5120xf32> to vector<128x5120xf32>
      %max3A_147 = arith.maximumf %max3A_145, %max3A_146 : vector<128x5120xf32>
      %min3A_148 = vector.broadcast %get3A_49 : vector<128x1xf32> to vector<128x5120xf32>
      %min3A_149 = vector.broadcast %get3A_133 : vector<1x5120xf32> to vector<128x5120xf32>
      %min3A_150 = arith.minimumf %min3A_148, %min3A_149 : vector<128x5120xf32>
      %min3A_151 = vector.broadcast %get3A_54 : vector<128x1xf32> to vector<128x5120xf32>
      %min3A_152 = vector.broadcast %get3A_138 : vector<1x5120xf32> to vector<128x5120xf32>
      %min3A_153 = arith.minimumf %min3A_151, %min3A_152 : vector<128x5120xf32>
      %sub3A_154 = arith.subf %min3A_150, %max3A_144 : vector<128x5120xf32>
      %max3A_155 = arith.constant 0.000000e+00 : f32
      %max3A_156 = vector.broadcast %max3A_155 : f32 to vector<128x5120xf32>
      %max3A_157 = arith.maximumf %max3A_156, %sub3A_154 : vector<128x5120xf32>
      %sub3A_158 = arith.subf %min3A_153, %max3A_147 : vector<128x5120xf32>
      %max3A_159 = arith.constant 0.000000e+00 : f32
      %max3A_160 = vector.broadcast %max3A_159 : f32 to vector<128x5120xf32>
      %max3A_161 = arith.maximumf %max3A_160, %sub3A_158 : vector<128x5120xf32>
      %mul3A_162 = arith.mulf %max3A_157, %max3A_161 : vector<128x5120xf32>
      %add3A_163 = vector.broadcast %mul3A_59 : vector<128x1xf32> to vector<128x5120xf32>
      %add3A_164 = vector.broadcast %mul3A_141 : vector<1x5120xf32> to vector<128x5120xf32>
      %add3A_165 = arith.addf %add3A_163, %add3A_164 : vector<128x5120xf32>
      %sub3A_166 = arith.subf %add3A_165, %mul3A_162 : vector<128x5120xf32>
      %div3A_167 = arith.divf %mul3A_162, %sub3A_166 : vector<128x5120xf32>
      %gt3A_168 = arith.constant 5.000000e-01 : f32
      %gt3A_169 = vector.broadcast %gt3A_168 : f32 to vector<128x5120xf32>
      %gt3A_170 = arith.cmpf ogt, %div3A_167, %gt3A_169 : vector<128x5120xf32>
      %convert_element_type3A_171 = arith.extui %gt3A_170 : vector<128x5120xi1> to vector<128x5120xi32>
      %convert_element_type3A_172 = arith.sitofp %convert_element_type3A_171 : vector<128x5120xi32> to vector<128x5120xf32>
      %mul3A_173 = vector.broadcast %scan3A_107#1 : vector<128x1xf32> to vector<128x5120xf32>
      %mul3A_174 = arith.mulf %mul3A_173, %convert_element_type3A_172 : vector<128x5120xf32>
      %reduce_max3A = arith.constant dense<0xFF800000> : vector<5120xf32>
      %reduce_max3A_175 = vector.multi_reduction <maximumf>, %mul3A_174, %reduce_max3A [0] : vector<128x5120xf32> to vector<5120xf32>
      %broadcast_in_dim3A_176 = vector.shape_cast %reduce_max3A_175 : vector<5120xf32> to vector<1x5120xf32>
      %add3A_177 = arith.constant 128 : i32
      %add3A_178 = arith.addi %mul3A_10, %add3A_177 : i32
      %ge3A = vector.broadcast %add3A_178 : i32 to vector<1x5120xi32>
      %ge3A_179 = arith.cmpi sge, %iota3A_1, %ge3A : vector<1x5120xi32>
      %convert_element_type3A_180 = arith.extui %ge3A_179 : vector<1x5120xi1> to vector<1x5120xi32>
      %convert_element_type3A_181 = arith.sitofp %convert_element_type3A_180 : vector<1x5120xi32> to vector<1x5120xf32>
      %get3A_182 = arith.constant 0 : index
      %get3A_183 = arith.constant 0 : index
      %get3A_184 = vector.load %arg12[%get3A_182, %get3A_183] : memref<1x5120xf32, #tpu.memory_space<vmem>>, vector<1x5120xf32>
      %mul3A_185 = arith.mulf %broadcast_in_dim3A_176, %convert_element_type3A_181 : vector<1x5120xf32>
      %max3A_186 = arith.maximumf %get3A_184, %mul3A_185 : vector<1x5120xf32>
      %swap3A_187 = arith.constant 0 : index
      %swap3A_188 = arith.constant 0 : index
      %swap3A_189 = vector.load %arg12[%swap3A_187, %swap3A_188] : memref<1x5120xf32, #tpu.memory_space<vmem>>, vector<1x5120xf32>
      tpu.vector_store %arg12[%swap3A_187, %swap3A_188], %max3A_186 {strides = array<i32>} : memref<1x5120xf32, #tpu.memory_space<vmem>>, vector<1x5120xf32>,
    }
    %scan3A_8 = arith.constant 40 : i32
    return
  }
  func.func @transform_0(%arg0: i32) -> (i32, i32, i32) {
    %c0_i32 = arith.constant 0 : i32
    %c0_i32_0 = arith.constant 0 : i32
    %c0_i32_1 = arith.constant 0 : i32
    return %arg0, %c0_i32, %c0_i32_0 : i32, i32, i32
  }
  func.func @transform_1(%arg0: i32) -> (i32, i32, i32) {
    %c0_i32 = arith.constant 0 : i32
    %c0_i32_0 = arith.constant 0 : i32
    %c0_i32_1 = arith.constant 0 : i32
    return %arg0, %c0_i32, %c0_i32_0 : i32, i32, i32
  }
  func.func @transform_2(%arg0: i32) -> (i32, i32, i32) {
    %c0_i32 = arith.constant 0 : i32
    %c0_i32_0 = arith.constant 0 : i32
    %c0_i32_1 = arith.constant 0 : i32
    return %arg0, %c0_i32, %c0_i32_0 : i32, i32, i32
  }
  func.func @transform_3(%arg0: i32) -> (i32, i32, i32) {
    %c0_i32 = arith.constant 0 : i32
    %c0_i32_0 = arith.constant 0 : i32
    %c0_i32_1 = arith.constant 0 : i32
    return %arg0, %c0_i32, %c0_i32_0 : i32, i32, i32
  }
  func.func @transform_4(%arg0: i32) -> (i32, i32, i32) {
    %c0_i32 = arith.constant 0 : i32
    %c0_i32_0 = arith.constant 0 : i32
    %c0_i32_1 = arith.constant 0 : i32
    return %arg0, %c0_i32, %c0_i32_0 : i32, i32, i32
  }
  func.func @transform_5(%arg0: i32) -> (i32, i32, i32) {
    %c0_i32 = arith.constant 0 : i32
    %c0_i32_0 = arith.constant 0 : i32
    %c0_i32_1 = arith.constant 0 : i32
    return %arg0, %c0_i32, %c0_i32_0 : i32, i32, i32
  }
  func.func @transform_6(%arg0: i32) -> (i32, i32, i32) {
    %c0_i32 = arith.constant 0 : i32
    %c0_i32_0 = arith.constant 0 : i32
    %c0_i32_1 = arith.constant 0 : i32
    return %arg0, %c0_i32, %c0_i32_0 : i32, i32, i32
  }
  func.func @transform_7(%arg0: i32) -> (i32, i32, i32) {
    %c0_i32 = arith.constant 0 : i32
    %c0_i32_0 = arith.constant 0 : i32
    %c0_i32_1 = arith.constant 0 : i32
    return %arg0, %c0_i32, %c0_i32_0 : i32, i32, i32
  }
  func.func @transform_8(%arg0: i32) -> (i32, i32, i32) {
    %c0_i32 = arith.constant 0 : i32
    %c0_i32_0 = arith.constant 0 : i32
    %c0_i32_1 = arith.constant 0 : i32
    return %arg0, %c0_i32, %c0_i32_0 : i32, i32, i32
  }
  func.func @transform_9(%arg0: i32) -> (i32, i32, i32) {
    %c0_i32 = arith.constant 0 : i32
    %c0_i32_0 = arith.constant 0 : i32
    %c0_i32_1 = arith.constant 0 : i32
    return %arg0, %c0_i32, %c0_i32_0 : i32, i32, i32
  }
}

</mosaic_0001>

<sc_bundles>
// kernel: gather_offload_async_start
scs
__scs_entry_jumppad:
0x0: {  	(pc) =	sbr.rel $0x88, $3  }
0x1: {  	(tag) =	ssettag $0x0;
	lr =	simm.s32 $0x1  }
0x2: {  	[smem:$0x3F9D] =	sst lr;
	_ =	strace $0xD0000000  }
0x3: {  	_ = 	snop  }
0x4: {  	_ = 	snop  }
0x5: {  	_ = 	snop  }
0x6: {  	_ = 	snop  }
0x7: {  	_ = 	snop  }
__scs_overlays_trampoline_lowered:
0x8: {  	[smem:$0x3FAC] =	sst s0  }
0x9: {  	[smem:$0x3FAD] =	sst s1  }
0xa: {  	[smem:$0x3FAE] =	sst s2  }
0xb: {  	[smem:$0x3FAF] =	sst s3  }
0xc: {  	[smem:$0x3FB0] =	sst s4  }
0xd: {  	[smem:$0x3FB1] =	sst s5  }
0xe: {  	[smem:$0x3FB2] =	sst s6  }
0xf: {  	[smem:$0x3FB3] =	sst s7  }
0x10: {  	[smem:$0x3FB4] =	sst s8  }
0x11: {  	[smem:$0x3FB5] =	sst s9;
	s0 =	simm.s32 @!p0 $0x0  }
0x12: {  	s1 =	sld [smem:$0x3F9B];
	s0 =	simm.s32 @p0 $0x1  }
0x13: {  	[smem:$0x3FB6] =	sst s0;
	s0 =	simm.s32 @!p1 $0x0  }
0x14: {  	s2 =	sld [smem:$0x3F9A];
	s0 =	simm.s32 @p1 $0x1  }
0x15: {  	[smem:$0x3FB7] =	sst s0;
	s0 =	simm.s32 @!p2 $0x0  }
0x16: {  	s3 =	sld [smem:$0x3FDB];
	s0 =	simm.s32 @p2 $0x1  }
0x17: {  	s4 =	simm.s32 $0x1BF5;
	[smem:$0x3FB9] =	sst s0  }
0x18: {  	s0 =	sld [smem:$0x3F9C];
	_ =	swait.ge [sflag:s4], $0x0  }
0x19: {  	s7 =	sld [smem:$0x3F9D]  }
0x1a: {  	s8 =	sadd.s32 $0xFFFFE003, lr  }
0x1b: {  	s9 =	sadd.s32 $0xFFFFFEF7, lr;
	s5 =	simm.s32 $0xFFFFFFFF;
	p2 =	slt.u32 s8, $0xFFFFF086  }
0x1c: {  	p1 =	slt.u32 s9, $0xF7A;
	s5 =	simm.s32 @!p2 $0x0  }
0x1d: {  	s5 =	simm.s32 @p1 $0x1;
	p0 =	seq.s32 s7, s2  }
0x1e: {  	s7 =	smul.u32 @!p0 $0xF7A, s2;
	p2 =	seq.s32 @!p0 s5, $0x0  }
0x1f: {  	s9 =	smul.u32 $0xF7A, s1;
	s8 =	simm.s32 @!p0 $0x1BF5;
	p2 =	por !p2, p0  }
0x20: {  	[sflag:s8] =	ssyncset.s32 @!p0 $0xFFFFF086;
	s6 =	sadd.s32 @!p0 s3, s7;
	s7 =	simm.s32 @!p0 $0x108  }
0x21: {  	s3 =	sadd.s32 s3, s9;
	s6 =	sadd.s32 @!p0 $0x88, s6;
	s7 =	simm.s32 @p2 $0x1082  }
0x22: {  	[simem:s7], [sflag:s8] =	dma.local @!p0 [hbm:s6], $0xF7A  }
0x23: {  	s9 =	sor.u32 $0xD0000000, s2;
	s6 =	simm.s32 $0x108;
	_ =	swait.ge @!p0 [sflag:s8], $0x0  }
0x24: {  	s3 =	sadd.s32 $0x88, s3;
	s6 =	simm.s32 @!p1 $0x1082;
	[sflag:s4] =	ssyncset.s32 $0xFFFFF086  }
0x25: {  	[simem:s6], [sflag:s4] =	dma.local [hbm:s3], $0xF7A  }
0x26: {  	[smem:$0x3F9D] =	sst s1;
	(tag) =	ssettag s2;
	_ =	strace s9  }
0x27: {  	s1 =	sld [smem:$0x3FAD]  }
0x28: {  	s2 =	sld [smem:$0x3FAE]  }
0x29: {  	s4 =	sld [smem:$0x3FB0]  }
0x2a: {  	p0 =	seq.s32 s5, $0x0;
	s5 =	sld [smem:$0x3FB1]  }
0x2b: {  	s6 =	sld [smem:$0x3FB2]  }
0x2c: {  	s7 =	sld [smem:$0x3FB3]  }
0x2d: {  	s3 =	simm.s32 $0x108;
	s8 =	sld [smem:$0x3FB4]  }
0x2e: {  	s3 =	simm.s32 @!p0 $0x1082;
	s9 =	sld [smem:$0x3FB5]  }
0x2f: {  	lr =	sadd.s32 s0, s3;
	s0 =	sld [smem:$0x3FAC]  }
0x30: {  	s3 =	sld [smem:$0x3FAF]  }
0x31: {  	[smem:$0x3FB8] =	sst s10  }
0x32: {  	s10 =	sld [smem:$0x3FB6];
	_ =	sdelay $0x3  }
0x33: {  	p0 =	seq.s32 s10, $0x1;
	s10 =	sld [smem:$0x3FB8];
	_ =	sdelay $0x3  }
0x34: {  	[smem:$0x3FB8] =	sst s10  }
0x35: {  	s10 =	sld [smem:$0x3FB7];
	_ =	sdelay $0x3  }
0x36: {  	p1 =	seq.s32 s10, $0x1;
	s10 =	sld [smem:$0x3FB8];
	_ =	sdelay $0x3  }
0x37: {  	[smem:$0x3FB8] =	sst s10  }
0x38: {  	s10 =	sld [smem:$0x3FB9]  }
0x39: {  	_ = 	snop;
	(pc) =	sbr.ind lr, $3  }
0x3a: {  	_ = 	snop  }
0x3b: {  	_ = 	snop  }
0x3c: {  	p2 =	seq.s32 s10, $0x1;
	s10 =	sld [smem:$0x3FB8]  }
0x3d: {  	_ =	shalt  }
0x3e: {  	_ =	shalt  }
0x3f: {  	_ =	shalt  }
0x40: {  	_ =	shalt  }
0x41: {  	_ =	shalt  }
0x42: {  	_ =	shalt  }
0x43: {  	_ =	shalt  }
0x44: {  	_ =	shalt  }
0x45: {  	_ =	shalt  }
0x46: {  	_ =	shalt  }
0x47: {  	_ =	shalt  }
0x48: {  	_ =	shalt  }
0x49: {  	_ =	shalt  }
0x4a: {  	_ =	shalt  }
0x4b: {  	_ =	shalt  }
0x4c: {  	_ =	shalt  }
0x4d: {  	_ =	shalt  }
0x4e: {  	_ =	shalt  }
0x4f: {  	_ =	shalt  }
0x50: {  	_ =	shalt  }
0x51: {  	_ =	shalt  }
0x52: {  	_ =	shalt  }
0x53: {  	_ =	shalt  }
0x54: {  	_ =	shalt  }
0x55: {  	_ =	shalt  }
0x56: {  	_ =	shalt  }
0x57: {  	_ =	shalt  }
0x58: {  	_ =	shalt  }
0x59: {  	_ =	shalt  }
0x5a: {  	_ =	shalt  }
0x5b: {  	_ =	shalt  }
0x5c: {  	_ =	shalt  }
0x5d: {  	_ =	shalt  }
0x5e: {  	_ =	shalt  }
0x5f: {  	_ =	shalt  }
0x60: {  	_ =	shalt  }
0x61: {  	_ =	shalt  }
0x62: {  	_ =	shalt  }
0x63: {  	_ =	shalt  }
0x64: {  	_ =	shalt  }
0x65: {  	_ =	shalt  }
0x66: {  	_ =	shalt  }
0x67: {  	_ =	shalt  }
0x68: {  	_ =	shalt  }
0x69: {  	_ =	shalt  }
0x6a: {  	_ =	shalt  }
0x6b: {  	_ =	shalt  }
0x6c: {  	_ =	shalt  }
0x6d: {  	_ =	shalt  }
0x6e: {  	_ =	shalt  }
0x6f: {  	_ =	shalt  }
0x70: {  	_ =	shalt  }
0x71: {  	_ =	shalt  }
0x72: {  	_ =	shalt  }
0x73: {  	_ =	shalt  }
0x74: {  	_ =	shalt  }
0x75: {  	_ =	shalt  }
0x76: {  	_ =	shalt  }
0x77: {  	_ =	shalt  }
0x78: {  	_ =	shalt  }
0x79: {  	_ =	shalt  }
0x7a: {  	_ =	shalt  }
0x7b: {  	_ =	shalt  }
0x7c: {  	_ =	shalt  }
0x7d: {  	_ =	shalt  }
0x7e: {  	_ =	shalt  }
0x7f: {  	_ =	shalt  }
0x80: {  	_ =	shalt  }
0x81: {  	_ =	shalt  }
0x82: {  	_ =	shalt  }
0x83: {  	_ =	shalt  }
0x84: {  	_ =	shalt  }
0x85: {  	_ =	shalt  }
0x86: {  	_ =	shalt  }
0x87: {  	_ =	shalt  }
.Lfunc_end0:
.L_simem_size_0:
called_computation_lowered:
.L_overlay_start_0:
0x88: {  	s2 =	sld [smem:$0x3FD9]  }
0x89: {  	s3 =	sld [smem:$0x3FFE];
	_ =	sdelay $0x1  }
0x8a: {  	s1 =	srdreg.scid  }
0x8b: {  	s0 =	sand.u32 $0x1, s1  }
0x8c: {  	s17 =	sshll.u32 s0, $0xA;
	s2 =	sadd.s32 s3, s2  }
0x8d: {  	s2 =	sadd.s32 s2, s17  }
0x8e: {  	[smem:$0x3FC4] =	sst s2  }
0x8f: {  	_ = 	snop  }
0x90: {  	s2 =	sld [smem:$0x3FC8];
	(tm) =	ssettm $0x1  }
0x91: {  	s18 =	sld [smem:$0x3FFB];
	_ =	sdelay $0x3  }
0x92: {  	_ =	strace s18  }
0x93: {  	s3 =	sld [smem:$0x3FFC];
	_ =	sdelay $0x3  }
0x94: {  	_ =	strace s3  }
0x95: {  	s3 =	sld [smem:$0x3FFD];
	_ =	sdelay $0x3  }
0x96: {  	_ =	strace s3  }
0x97: {  	_ =	strace $0x8FFFFFFF  }
0x98: {  	s19 =	sld [smem:$0x3FDB];
	_ =	sdelay $0x1  }
0x99: {  	s4 =	simm.s32 $_scs_section_size  }
0x9a: {  	s5 =	simm.s32 $_size__tile_overlayer_lowered;
	s6 =	simm.s32 $_tile_overlayer_lowered  }
0x9b: {  	s22 =	simm.s32 $0x1BFF;
	s21 =	sshll.u32 s6, $0x1;
	s3 =	sadd.s32 s4, s19  }
0x9c: {  	s7 =	simm.s32 $0x0;
	s20 =	sshll.u32 s5, $0x1;
	s5 =	sadd.s32 s21, s3  }
0x9d: {  	[timem:s7], [sflag:s22] =	dma.local [hbm:s5], s20  }
0x9e: {  	_ =	swait.ge [sflag:s22], s20  }
0x9f: {  	s4 =	ssub.s32 $0x0, s20;
	[sflag:s22] =	ssyncset.done $0x0  }
0xa0: {  	[sflag:s22] =	ssyncadd.s32 s4;
	_ =	sdelay $0x1  }
0xa1: {  	s23 =	simm.s32 $0x1B8B  }
0xa2: {  	_ =	swait.ge [sflag:s23], $0x1  }
0xa3: {  	[sflag:s23] =	ssyncset.done $0x0  }
0xa4: {  	s25 =	simm.s32 $0x1B8E;
	s24 =	sld [smem:$0x3FFE];
	[sflag:s23] =	ssyncadd.s32 $0xFFFFFFFF  }
0xa5: {  	s26 =	simm.s32 $execute0_lowered;
	[smem:$0x3FD2] =	sst s25  }
0xa6: {  	s5 =	sshll.u32 s26, $0x1;
	_ =	strace $0x80000046;
	[dreg:$0x1] =	wrdreg $0xFFFFFFFF  }
0xa7: {  	s28 =	simm.s32 $_size_execute0_lowered;
	s3 =	sadd.s32 s3, s5;
	[dreg:$0x0] =	wrdreg $0x0  }
0xa8: {  	s5 =	sshll.u32 s28, $0x1;
	[dreg:$0x2] =	wrdreg s3  }
0xa9: {  	[dreg:$0x3] =	wrdreg s5  }
0xaa: {  	[dreg:$0x4] =	wrdreg $0xC0  }
0xab: {  	_ =	task [dreg:s7], $0x5FFFF  }
0xac: {  	[dreg:$0x1] =	wrdreg $0xFFFFFFFF  }
0xad: {  	[dreg:$0x0] =	wrdreg $0x60  }
0xae: {  	[dreg:$0x2] =	wrdreg s2  }
0xaf: {  	[dreg:$0x3] =	wrdreg s24  }
0xb0: {  	[dreg:$0x4] =	wrdreg $0x9  }
0xb1: {  	_ =	task.clear_ibuf [dreg:s7], $0x5FFFF;
	_ =	strace $0x90000046  }
0xb2: {  	s29 =	simm.s32 $0x9;
	_ =	strace $0x80000048  }
0xb3: {  	_ =	swait.ge [sflag:s29], $0x1  }
0xb4: {  	[sflag:s29] =	ssyncadd.s32 $0xFFFFFFFF  }
0xb5: {  	_ =	strace $0x90000048  }
0xb6: {  	_ =	sfence  }
0xb7: {  	s30 =	sld [smem:$0x0];
	_ =	sdelay $0x2  }
0xb8: {  	s31 =	sshll.u32 s1, $0xD;
	s1 =	sshrl.u32 s1, $0x2  }
0xb9: {  	s3 =	sand.u32 $0x4000, s31;
	s1 =	sadd.s32 s1, s30  }
0xba: {  	s0 =	sor.u32 s3, s0;
	s1 =	sshll.u32 s1, $0x11  }
0xbb: {  	s0 =	sor.u32 s1, s0  }
0xbc: {  	s0 =	sadd.s32 $0x8F2B, s0  }
0xbd: {  	[sflag:s0] =	ssyncadd.remote.s32 $0x1  }
0xbe: {  	_ =	sfence.sel $0xFFFF  }
0xbf: {  	[dreg:$0x0] =	wrdreg $0xFFFFFFFF;
	(pc) =	sbr.abs _section_cstart, $3  }
0xc0: {  	[dreg:$0x1] =	wrdreg $0xFFFFFFFF  }
0xc1: {  	_ =	task.clear_ibuf [dreg:s7], $0x2FFFF;
	_ =	strace $0x9FFFFFFF  }
0xc2: {  	(tm) =	ssettm $0x7FFFFFFF  }
0xc3: {  	_ =	shalt  }
tec
execute0_lowered:
.L_overlay_start_1:
0x0: {  	(tag) =	ssettag $0x1  }
0x1: {  	s2 =	rddreg [dreg:$0x0]  }
0x2: {  	s3 =	rddreg [dreg:$0x1];
	s1 =	stileid.u32  }
0x3: {  	s4 =	srdreg.scid;
	s0 =	rddreg [dreg:$0x2];
	_ =	strace $0x80000047  }
0x4: {  	s7 =	simm.s32 $0x1;
	s8 =	simm.s32 $0x1;
	s9 =	simm.s32 $0x3  }
0x5: {  	s10 =	simm.s32 $0x0;
	s5 =	sand.u32 $0x1, s4;
	s6 =	sshll.u32 s1, $0x1  }
0x6: {  	s13 =	simm.s32 $0x0;
	s4 =	simm.s32 $0x1;
	s5 =	sor.u32 s6, s5  }
.Ltmp0:
0x7: {  	[sflag:s4] =	ssyncpa.u1 $0x0;
	p0 =	slt.u32 s5, $0x13;
	(pc) =	sbr.rel .LBB2_1-.Ltmp0, $4  }
0x8: {  	s6 =	simm.s32 $0x2;
	s7 =	simm.s32 @!p0 $0x0;
	p0 =	sne.s32 s5, $0x12  }
0x9: {  	[sflag:s6] =	ssyncpa.u1 $0x0;
	s5 =	smul.u32 $0x190, s5;
	s8 =	simm.s32 @!p0 $0x0  }
0xa: {  	s12 =	simm.s32 $0x0;
	[sflag:s9] =	ssyncpa.u1 $0x0;
	s7 =	sadd.s32 s8, s7  }
0xb: {  	vm0 =	vmmov $0xffff;
	s8 =	sadd.s32 $0xA00, s3;
	s11 =	smov.u32 s5;
	s9 =	sadd.s32 $0x1, s7  }
.LBB2_4:
0xc: {  	vm1 =	veq.s32 v4, $0x80000000;
	v56 =	vand.u32 $0x3, v4;
	v6 =	vand.u32 $0x1FFF, v6  }
0xd: {  	v2 =	vor.u32 v2, v5;
	v59 =	vshrl.u32 v1, $0x2;
	v60 =	vand.u32 $0x3, v1  }
0xe: {  	v4 =	vsel vm1, $0xFFFFFFFF, v56;
	v6 =	vsel vm1, $0xFFFFFFFF, v6;
	v2 =	vor.u32 v3, v2  }
0xf: {  	vm1 =	veq.s32 v1, $0x80000000;
	v5 =	vand.u32 $0x1FFF, v59;
	v7 =	vshrl.u32 v4, $0x2  }
0x10: {  	v57 =	vshll.u32 v6, $0x2;
	v4 =	vshll.u32 v4, $0x7;
	v1 =	vsel vm1, $0xFFFFFFFF, v60  }
0x11: {  	v5 =	vsel vm1, $0xFFFFFFFF, v5;
	v6 =	vand.u32 $0x7F, v6;
	v7 =	vmul.u32 $0x5000, v7  }
0x12: {  	v58 =	vand.u32 $0xFFFFFE00, v57;
	v4 =	vand.u32 $0x180, v4;
	v61 =	vshrl.u32 v1, $0x2  }
0x13: {  	v62 =	vshll.u32 v5, $0x2;
	v3 =	vadd.s32 v7, v58;
	v7 =	vmul.u32 $0x5000, v61  }
0x14: {  	v1 =	vshll.u32 v1, $0x7;
	v3 =	vor.u32 v4, v3;
	v4 =	vand.u32 $0xFFFFFE00, v62  }
0x15: {  	v1 =	vand.u32 $0x180, v1;
	v3 =	vor.u32 v6, v3;
	v4 =	vadd.s32 v7, v4  }
0x16: {  	[tilespmem:s16], [sflag:$0x1] =	stream.indirect_vreg.gather [hbm4b:s2+s10], $0x1, v0, vm0, $0x4038;
	v63 =	vand.u32 $0x7F, v5;
	v1 =	vor.u32 v1, v4;
	[tilespmem:$0x640] =	vst v63  }
0x17: {  	s15 =	sadd.s32 $0x10, s15;
	(ifvalue) =	ssetifvalue $0x7FFFFFFF;
	v0 =	vor.u32 v63, v1  }
0x18: {  	[tilespmem:s15], [sflag:$0x1] =	stream.indirect_vreg.gather [hbm4b:s2+s10], $0x1, v2, vm0, $0x4038;
	[tilespmem:$0x640] =	vst v63  }
0x19: {  	s15 =	sadd.s32 $0x10, s15;
	(ifvalue) =	ssetifvalue $0x7FFFFFFF  }
0x1a: {  	[tilespmem:s15], [sflag:$0x1] =	stream.indirect_vreg.gather [hbm4b:s2+s10], $0x1, v3, vm0, $0x4038;
	[tilespmem:$0x640] =	vst v63  }
0x1b: {  	s15 =	sadd.s32 $0x10, s15;
	(ifvalue) =	ssetifvalue $0x7FFFFFFF  }
0x1c: {  	[tilespmem:s15], [sflag:$0x1] =	stream.indirect_vreg.gather [hbm4b:s2+s10], $0x1, v0, vm0, $0x4038;
	[tilespmem:$0x640] =	vst v63  }
0x1d: {  	_ =	swait.ge [sflag:s4], $0x190  }
0x1e: {  	s30 =	sshrl.u32 s13, $0x3;
	[sflag:s4] =	ssyncset.done $0x0  }
0x1f: {  	s31 =	sand.u32 $0x7, s13;
	s15 =	sadd.s32 s8, s30;
	[sflag:s4] =	ssyncadd.s32 $0xFFFFFE70  }
0x20: {  	[hbm4b:s15+s31] =	stream.linear.scatter [tilespmem:s14], [sflag:$0x3], $0x190, $0x38;
	[tilespmem:$0x640] =	vst v63  }
.LBB2_5:
0x21: {  	s15 =	sadd.s32 $0x3200, s11  }
0x22: {  	p1 =	sgt.s32 s15, $0x4E1F  }
0x23: {  	s15 =	smov.u32 @p1 s5;
	p1 =	sne.s32 s12, s9  }
.Ltmp1:
0x24: {  	p0 =	slt.u32 s12, $0x2;
	(pc) =	sbr.rel @!p1 .LBB2_6-.Ltmp1, $4  }
0x25: {  	s14 =	simm.s32 @!p0 $0x3  }
0x26: {  	_ =	swait.ge @!p0 [sflag:s14], $0x190  }
0x27: {  	s16 =	sadd.s32 $0x1, s12;
	s13 =	smov.u32 s11;
	[sflag:s14] =	ssyncset.done @!p0 $0x0  }
0x28: {  	s12 =	smov.u32 s16;
	s11 =	smov.u32 s15;
	[sflag:s14] =	ssyncadd.s32 @!p0 $0xFFFFFE70  }
.LBB2_1:
0x29: {  	p0 =	sge.u32 s12, s7  }
0x2a: {  	s14 =	sxor.u32 @!p0 $0x1, s12  }
0x2b: {  	s14 =	smul.u32 @!p0 $0x640, s14  }
0x2c: {  	s31 =	sadd.s32 $0xFFFFFFFF, s12;
	s15 =	sshrl.u32 @!p0 s11, $0x3  }
0x2d: {  	s16 =	sand.u32 @!p0 $0x7, s11;
	s15 =	sadd.s32 @!p0 s3, s15;
	s14 =	sshra.s32 @!p0 s14, $0x2  }
0x2e: {  	[tilespmem:s14], [sflag:$0x2] =	stream.linear.gather @!p0 [hbm4b:s15+s16], $0x190, $0x38;
	[tilespmem:$0x640] =	vst v63  }
0x2f: {  	p0 =	sge.u32 s31, s7  }
.Ltmp2:
0x30: {  	_ = 	snop;
	(pc) =	sbr.rel @p0 .LBB2_5-.Ltmp2, $1  }
0x31: {  	_ =	sdelay $0x3  }
0x32: {  	s14 =	sand.u32 $0x1, s12  }
0x33: {  	_ =	swait.ge [sflag:s6], $0x190;
	p0 =	seq.s32 s14, $0x1;
	s14 =	simm.s32 $0x190  }
0x34: {  	[sflag:s6] =	ssyncset.done $0x0;
	s14 =	simm.s32 @!p0 $0x0  }
0x35: {  	[sflag:s6] =	ssyncadd.s32 $0xFFFFFE70;
	(ifvalue) =	ssetifvalue $0x7FFFFFFF;
	v0 =	vld.msk [tilespmem:s14+$0x0 ss:$0x1], $0xffff  }
0x36: {  	s15 =	sadd.s32 $0x10, s14  }
0x37: {  	v1 =	vld.msk [tilespmem:s15+$0x0 ss:$0x1], $0xffff;
	_ =	sdelay $0x2  }
0x38: {  	v2 =	vshrl.u32 v0, $0x2  }
0x39: {  	vm1 =	veq.s32 v0, $0x80000000;
	v0 =	vand.u32 $0x3, v0;
	v2 =	vand.u32 $0x1FFF, v2  }
0x3a: {  	v0 =	vsel vm1, $0xFFFFFFFF, v0;
	v6 =	vshrl.u32 v1, $0x2;
	v2 =	vsel vm1, $0xFFFFFFFF, v2  }
0x3b: {  	v3 =	vshrl.u32 v0, $0x2;
	v0 =	vshll.u32 v0, $0x7;
	vm1 =	veq.s32 v1, $0x80000000  }
0x3c: {  	s15 =	sadd.s32 $0x10, s15;
	v1 =	vand.u32 $0x3, v1;
	v4 =	vshll.u32 v2, $0x2;
	v3 =	vmul.u32 $0x5000, v3  }
0x3d: {  	v0 =	vand.u32 $0x180, v0;
	v7 =	vand.u32 $0x7F, v2;
	v5 =	vand.u32 $0xFFFFFE00, v4;
	v4 =	vld.msk [tilespmem:s15+$0x0 ss:$0x1], $0xffff  }
0x3e: {  	v1 =	vsel vm1, $0xFFFFFFFF, v1;
	v2 =	vadd.s32 v3, v5;
	v3 =	vand.u32 $0x1FFF, v6  }
0x3f: {  	v3 =	vsel vm1, $0xFFFFFFFF, v3;
	v0 =	vor.u32 v0, v2;
	v2 =	vshrl.u32 v1, $0x2  }
0x40: {  	v1 =	vshll.u32 v1, $0x7;
	v5 =	vshll.u32 v3, $0x2;
	v8 =	vmul.u32 $0x5000, v2  }
0x41: {  	s18 =	simm.s32 $0x30;
	s14 =	sadd.s32 $0x320, s14;
	s17 =	sadd.s32 $0x10, s15;
	v2 =	vand.u32 $0x180, v1;
	v0 =	vor.u32 v7, v0;
	v5 =	vand.u32 $0xFFFFFE00, v5  }
0x42: {  	s16 =	smov.u32 s14;
	s15 =	smov.u32 s14;
	v1 =	vld.msk [tilespmem:s17+$0x0 ss:$0x1], $0xffff;
	v3 =	vand.u32 $0x7F, v3;
	(ifvalue) =	ssetifvalue $0x7FFFFFFF;
	v6 =	vshrl.u32 v4, $0x2;
	v5 =	vadd.s32 v8, v5  }
.LBB2_3:
0x43: {  	s18 =	sadd.s32 $0x10, s18  }
0x44: {  	vm1 =	veq.s32 v4, $0x80000000;
	v4 =	vand.u32 $0x3, v4;
	v6 =	vand.u32 $0x1FFF, v6;
	s15 =	sadd.s32 $0x10, s15;
	p0 =	slt.u32 s18, $0x180  }
.Ltmp3:
0x45: {  	v5 =	vor.u32 v2, v5;
	v4 =	vsel vm1, $0xFFFFFFFF, v4;
	v7 =	vsel vm1, $0xFFFFFFFF, v6;
	(pc) =	sbr.rel @p0 .LBB2_3-.Ltmp3, $4  }
0x46: {  	v2 =	vshrl.u32 v4, $0x2;
	v6 =	vshll.u32 v7, $0x2;
	v4 =	vshll.u32 v4, $0x7;
	[tilespmem:s16], [sflag:$0x1] =	stream.indirect_vreg.gather [hbm4b:s2+s10], $0x1, v0, vm0, $0x4038;
	[tilespmem:$0x640] =	vst v63  }
0x47: {  	v0 =	vor.u32 v3, v5;
	s16 =	smov.u32 s15;
	v8 =	vmul.u32 $0x5000, v2;
	v2 =	vand.u32 $0x180, v4  }
0x48: {  	s17 =	sadd.s32 $0x10, s17;
	v9 =	vand.u32 $0xFFFFFE00, v6  }
0x49: {  	v3 =	vand.u32 $0x7F, v7;
	v6 =	vshrl.u32 v1, $0x2;
	v5 =	vadd.s32 v8, v9;
	(ifvalue) =	ssetifvalue $0x7FFFFFFF;
	v4 =	vmovc v1;
	v1 =	vld.msk [tilespmem:s17+$0x0 ss:$0x1], $0xffff  }
.Ltmp4:
0x4a: {  	_ = 	snop;
	(pc) =	sbr.rel .LBB2_4-.Ltmp4, $1  }
0x4b: {  	_ =	sdelay $0x3  }
.LBB2_6:
0x4c: {  	_ =	sfence.sel $0x180000  }
0x4d: {  	s2 =	simm.s32 $0x2;
	[bflag:$0x0] =	sbarrier.arrive $0xFFFF  }
0x4e: {  	s30 =	simm.s32 $0x3;
	[sflag:s2] =	ssyncpa.u1 $0x1  }
0x4f: {  	s31 =	simm.s32 $0x1;
	[sflag:s30] =	ssyncpa.u1 $0x1  }
0x50: {  	[sflag:s31] =	ssyncpa.u1 $0x1  }
0x51: {  	p0 =	sne.s32 s1, $0x0;
	_ =	strace $0x90000047  }
0x52: {  	s0 =	sadd.s32 @!p0 $0x100000, s0;
	[bflag:$0x2] =	sbarrier.arrive $0xFFFF  }
0x53: {  	[sflag:s0] =	ssyncadd.tile.s32 @!p0 $0x1;
	_ =	shalt  }
.Lfunc_end2:
_tile_overlayer_lowered:
.L_overlay_start_2:
0x54: {  	(tag) =	ssettag $0x2  }
0x55: {  	s0 =	rddreg [dreg:$0x0];
	s2 =	stileid.u32  }
0x56: {  	s1 =	rddreg [dreg:$0x1];
	p0 =	sne.s32 s2, $0x0  }
0x57: {  	s3 =	rddreg [dreg:$0x2];
	[bflag:$0x3] =	sbarrier.arrive $0xFFFF;
	s2 =	simm.s32 @!p0 $0x1C01  }
0x58: {  	[timem:s3], [sflag:s2] =	dma.local @!p0 [hbm:s0], s1  }
0x59: {  	s0 =	simm.s32 @!p0 $0x1  }
0x5a: {  	_ =	swait.ge @!p0 [sflag:s0], s1  }
0x5b: {  	s1 =	ssub.s32 @!p0 $0x0, s1;
	[sflag:s0] =	ssyncset.done @!p0 $0x0  }
0x5c: {  	[sflag:s0] =	ssyncadd.s32 @!p0 s1  }
0x5d: {  	[bflag:$0x3] =	sbarrier.arrive $0xFFFF  }
0x5e: {  	_ =	shalt  }

</sc_bundles>
